<compile_context>
chip_gen: v7x
topology: tpu7x:2x2x1
jax: 0.10.2.dev20260603
libtpu: 0.0.44.dev20260713+nightly
codegen_flags: <defaults>
</compile_context>

<pallas_src>
import functools

import jax
import jax.numpy as jnp
from jax import lax
from jax.experimental import pallas as pl
from jax.experimental.pallas import tpu as pltpu
from jax.experimental.pallas import tpu_sc as plsc

D = 1024
NC, NS = 2, 16
NW = NC * NS
C = 32


@functools.partial(jax.jit, static_argnames=("B",))
def _gather(idx, table, B):
    n_per_w = B // NW
    n_chunks = n_per_w // C
    mesh = plsc.VectorSubcoreMesh(core_axis_name="c", subcore_axis_name="s")

    @functools.partial(
        pl.kernel,
        out_type=jax.ShapeDtypeStruct((B, D), jnp.float32),
        mesh=mesh,
        scratch_types=[
            pltpu.VMEM((n_chunks, C), jnp.int32),
            pltpu.VMEM((2, C, D), jnp.float32),
            pltpu.SemaphoreType.DMA,
            pltpu.SemaphoreType.DMA,
            pltpu.SemaphoreType.DMA,
            pltpu.SemaphoreType.DMA,
        ],
    )
    def k(idx_hbm, table_hbm, out_hbm, idx_v, buf, g0, g1, s0, s1):
        wid = lax.axis_index("s") * NC + lax.axis_index("c")
        base = wid * n_per_w
        pltpu.sync_copy(idx_hbm.at[wid], idx_v)

        gsems = (g0, g1)
        ssems = (s0, s1)

        pltpu.async_copy(table_hbm.at[idx_v.at[0]], buf.at[0], g0)
        pltpu.async_copy(table_hbm.at[idx_v.at[1]], buf.at[1], g1)

        @pl.loop(0, n_chunks, step=2)
        def _(j):
            for b in range(2):
                i = j + b
                pltpu.make_async_copy(
                    table_hbm.at[idx_v.at[i]], buf.at[b], gsems[b]
                ).wait()
                pltpu.async_copy(
                    buf.at[b], out_hbm.at[pl.ds(base + i * C, C)], ssems[b]
                ).wait()

                @pl.when(i + 2 < n_chunks)
                def _():
                    pltpu.async_copy(
                        table_hbm.at[idx_v.at[i + 2]], buf.at[b], gsems[b]
                    )

    return k(idx, table)


def kernel(inputs, embedding):
    B = inputs.size
    n_per_w = B // NW
    idx = inputs.reshape(NW, n_per_w // C, C).astype(jnp.int32)
    out = _gather(idx, embedding, B)
    return out.reshape(*inputs.shape, D)

# --- scband reference (transcript-rebuilt; emitter-appended) ---
"""Pipeline reference for scband-positional-enc-30794915512926 (READ-ONLY COPY).

The authoritative reference and input builder live on the scoring server;
editing this copy changes nothing except your own understanding.
"""

import jax, jax.numpy as jnp
import numpy as np

T = 8192
DMODEL = 1024

def pos_enc(T, dmodel):
    pos = jnp.arange(0, T, dtype=jnp.float32).reshape(-1, 1) * jnp.ones((1, dmodel), dtype=jnp.float32)
    denom = 10000.0 ** (2.0 * jnp.arange(0, dmodel, dtype=jnp.float32) / dmodel)
    enc = pos / denom
    enc = enc.at[:, 0::2].set(jnp.sin(enc[:, 0::2]))
    enc = enc.at[:, 1::2].set(jnp.cos(enc[:, 1::2]))
    return enc

def setup_inputs(seed: int = 0) -> dict:
    key = jax.random.key(seed)
    k1, _ = jax.random.split(key)
    inputs = jax.random.randint(k1, (4, 8192), 0, T, dtype=jnp.int64 if jax.config.jax_enable_x64 else jnp.int32)
    embedding = pos_enc(T, DMODEL)
    return {"inputs": inputs, "embedding": embedding}

def reference(inputs, embedding):
    # positional_enc.forward: self.embedding[inputs] -> gather rows of the PE table
    return jnp.take(embedding, inputs, axis=0)

if __name__ == "__main__":
    import jax
    _d = setup_inputs()
    print(jax.jit(kernel)(*tuple(_d.values())))

</pallas_src>

<mosaic_0001>
#map = affine_map<(d0, d1) -> (0, 0, 0)>
#map1 = affine_map<(d0, d1) -> (0, 0)>
module attributes {stable_mosaic.version = 14 : i64} {
  func.func @k(%arg0: i32, %arg1: i32, %arg2: memref<32x32x32xi32, #tpu.memory_space<hbm>>, %arg3: memref<8192x1024xf32, #tpu.memory_space<hbm>>, %arg4: memref<32768x1024xf32, #tpu.memory_space<hbm>>, %arg5: memref<32x32xi32, #tpu.memory_space<vmem>>, %arg6: memref<2x32x1024xf32, #tpu.memory_space<vmem>>, %arg7: memref<!tpu.dma_semaphore, #tpu.memory_space<semaphore_mem>>, %arg8: memref<!tpu.dma_semaphore, #tpu.memory_space<semaphore_mem>>, %arg9: memref<!tpu.dma_semaphore, #tpu.memory_space<semaphore_mem>>, %arg10: memref<!tpu.dma_semaphore, #tpu.memory_space<semaphore_mem>>) attributes {dimension_semantics = [#tpu.dimension_semantics<core_parallel>, #tpu.dimension_semantics<subcore_parallel>], iteration_bounds = array<i64: 2, 16>, scalar_prefetch = 0 : i64, scratch_operands = 6 : i64, tpu.core_type = #tpu.core_type<sc_vector_subcore>, window_params = [{transform_indices = #map}, {transform_indices = #map1}, {transform_indices = #map1}]} {
    %mul3A = arith.constant 2 : i32
    %mul3A_0 = arith.muli %arg1, %mul3A : i32
    %add3A = arith.addi %mul3A_0, %arg0 : i32
    %mul3A_1 = arith.constant 1024 : i32
    %mul3A_2 = arith.muli %add3A, %mul3A_1 : i32
    "tpu.region"() ({
      %run_scoped3A = tpu.sem_alloc : memref<!tpu.dma_semaphore, #tpu.memory_space<semaphore_mem>>
      %dma_start3A_30 = arith.constant 0 : i32
      %dma_start3A_31 = arith.constant 0 : i32
      %dma_start3A_32 = tpu.memref_slice %arg2[%add3A, %dma_start3A_30, %dma_start3A_31] : memref<32x32x32xi32, #tpu.memory_space<hbm>> -> memref<1x32x32xi32, #tpu.memory_space<hbm>>
      %dma_start3A_33 = tpu.memref_squeeze %dma_start3A_32 : memref<1x32x32xi32, #tpu.memory_space<hbm>> -> memref<32x32xi32, #tpu.memory_space<hbm>>
      %dma_start3A_34 = arith.constant 0 : i32
      %dma_start3A_35 = arith.constant 0 : i32
      %dma_start3A_36 = tpu.memref_slice %arg2[%add3A, %dma_start3A_34, %dma_start3A_35] : memref<32x32x32xi32, #tpu.memory_space<hbm>> -> memref<1x32x32xi32, #tpu.memory_space<hbm>>
      %dma_start3A_37 = tpu.memref_squeeze %dma_start3A_36 : memref<1x32x32xi32, #tpu.memory_space<hbm>> -> memref<32x32xi32, #tpu.memory_space<hbm>>
      tpu.enqueue_dma source(%dma_start3A_37 : memref<32x32xi32, #tpu.memory_space<hbm>>) target(%arg5 : memref<32x32xi32, #tpu.memory_space<vmem>>) target_semaphore(%run_scoped3A : memref<!tpu.dma_semaphore, #tpu.memory_space<semaphore_mem>>)
      %dma_wait3A = arith.constant 0 : i32
      %dma_wait3A_38 = arith.constant 0 : i32
      %dma_wait3A_39 = tpu.memref_slice %arg2[%add3A, %dma_wait3A, %dma_wait3A_38] : memref<32x32x32xi32, #tpu.memory_space<hbm>> -> memref<1x32x32xi32, #tpu.memory_space<hbm>>
      %dma_wait3A_40 = tpu.memref_squeeze %dma_wait3A_39 : memref<1x32x32xi32, #tpu.memory_space<hbm>> -> memref<32x32xi32, #tpu.memory_space<hbm>>
      %dma_wait3A_41 = arith.constant 0 : i32
      %dma_wait3A_42 = arith.constant 0 : i32
      %dma_wait3A_43 = tpu.memref_slice %arg2[%add3A, %dma_wait3A_41, %dma_wait3A_42] : memref<32x32x32xi32, #tpu.memory_space<hbm>> -> memref<1x32x32xi32, #tpu.memory_space<hbm>>
      %dma_wait3A_44 = tpu.memref_squeeze %dma_wait3A_43 : memref<1x32x32xi32, #tpu.memory_space<hbm>> -> memref<32x32xi32, #tpu.memory_space<hbm>>
      tpu.wait_dma2 semaphore(%run_scoped3A : memref<!tpu.dma_semaphore, #tpu.memory_space<semaphore_mem>>) src(%dma_wait3A_44 : memref<32x32xi32, #tpu.memory_space<hbm>>) dst(%arg5 : memref<32x32xi32, #tpu.memory_space<vmem>>)
      tpu.yield
    }) : () -> ()
    %dma_start3A = arith.constant 0 : i32
    %dma_start3A_3 = arith.constant 0 : i32
    %dma_start3A_4 = arith.constant 0 : i32
    %dma_start3A_5 = arith.constant 0 : i32
    %dma_start3A_6 = tpu.memref_slice %arg6[%dma_start3A_3, %dma_start3A_4, %dma_start3A_5] : memref<2x32x1024xf32, #tpu.memory_space<vmem>> -> memref<1x32x1024xf32, #tpu.memory_space<vmem>>
    %dma_start3A_7 = tpu.memref_squeeze %dma_start3A_6 : memref<1x32x1024xf32, #tpu.memory_space<vmem>> -> memref<32x1024xf32, #tpu.memory_space<vmem>>
    %dma_start3A_8 = arith.constant 0 : i32
    %dma_start3A_9 = tpu.memref_slice %arg5[%dma_start3A, %dma_start3A_8] : memref<32x32xi32, #tpu.memory_space<vmem>> -> memref<1x32xi32, #tpu.memory_space<vmem>>
    %dma_start3A_10 = tpu.memref_squeeze %dma_start3A_9 : memref<1x32xi32, #tpu.memory_space<vmem>> -> memref<32xi32, #tpu.memory_space<vmem>>
    %dma_start3A_11 = arith.constant 0 : i32
    %dma_start3A_12 = arith.constant 0 : i32
    %dma_start3A_13 = tpu.memref_slice %arg3[%dma_start3A_11, %dma_start3A_12] : memref<8192x1024xf32, #tpu.memory_space<hbm>> -> memref<8192x1024xf32, #tpu.memory_space<hbm>>
    tpu.enqueue_indirect_dma source(%dma_start3A_13 : memref<8192x1024xf32, #tpu.memory_space<hbm>>) target(%dma_start3A_7 : memref<32x1024xf32, #tpu.memory_space<vmem>>) offsets(%dma_start3A_10 : memref<32xi32, #tpu.memory_space<vmem>>) semaphore(%arg7 : memref<!tpu.dma_semaphore, #tpu.memory_space<semaphore_mem>>)
    %dma_start3A_14 = arith.constant 1 : i32
    %dma_start3A_15 = arith.constant 1 : i32
    %dma_start3A_16 = arith.constant 0 : i32
    %dma_start3A_17 = arith.constant 0 : i32
    %dma_start3A_18 = tpu.memref_slice %arg6[%dma_start3A_15, %dma_start3A_16, %dma_start3A_17] : memref<2x32x1024xf32, #tpu.memory_space<vmem>> -> memref<1x32x1024xf32, #tpu.memory_space<vmem>>
    %dma_start3A_19 = tpu.memref_squeeze %dma_start3A_18 : memref<1x32x1024xf32, #tpu.memory_space<vmem>> -> memref<32x1024xf32, #tpu.memory_space<vmem>>
    %dma_start3A_20 = arith.constant 0 : i32
    %dma_start3A_21 = tpu.memref_slice %arg5[%dma_start3A_14, %dma_start3A_20] : memref<32x32xi32, #tpu.memory_space<vmem>> -> memref<1x32xi32, #tpu.memory_space<vmem>>
    %dma_start3A_22 = tpu.memref_squeeze %dma_start3A_21 : memref<1x32xi32, #tpu.memory_space<vmem>> -> memref<32xi32, #tpu.memory_space<vmem>>
    %dma_start3A_23 = arith.constant 0 : i32
    %dma_start3A_24 = arith.constant 0 : i32
    %dma_start3A_25 = tpu.memref_slice %arg3[%dma_start3A_23, %dma_start3A_24] : memref<8192x1024xf32, #tpu.memory_space<hbm>> -> memref<8192x1024xf32, #tpu.memory_space<hbm>>
    tpu.enqueue_indirect_dma source(%dma_start3A_25 : memref<8192x1024xf32, #tpu.memory_space<hbm>>) target(%dma_start3A_19 : memref<32x1024xf32, #tpu.memory_space<vmem>>) offsets(%dma_start3A_22 : memref<32xi32, #tpu.memory_space<vmem>>) semaphore(%arg8 : memref<!tpu.dma_semaphore, #tpu.memory_space<semaphore_mem>>)
    %scan3A = arith.constant 0 : i32
    %scan3A_26 = arith.constant 16 : i32
    %scan3A_27 = arith.addi %scan3A, %scan3A_26 : i32
    %scan3A_28 = arith.constant 1 : i32
    scf.for %scan3A_30 = %scan3A to %scan3A_27 step %scan3A_28  : i32 {
      %mul3A_31 = arith.constant 2 : i32
      %mul3A_32 = arith.muli %scan3A_30, %mul3A_31 : i32
      %add3A_33 = arith.constant 0 : i32
      %add3A_34 = arith.addi %add3A_33, %mul3A_32 : i32
      %add3A_35 = arith.constant 0 : i32
      %add3A_36 = arith.addi %add3A_34, %add3A_35 : i32
      %dma_wait3A = arith.constant 0 : i32
      %dma_wait3A_37 = arith.constant 0 : i32
      %dma_wait3A_38 = arith.constant 0 : i32
      %dma_wait3A_39 = tpu.memref_slice %arg6[%dma_wait3A, %dma_wait3A_37, %dma_wait3A_38] : memref<2x32x1024xf32, #tpu.memory_space<vmem>> -> memref<1x32x1024xf32, #tpu.memory_space<vmem>>
      %dma_wait3A_40 = tpu.memref_squeeze %dma_wait3A_39 : memref<1x32x1024xf32, #tpu.memory_space<vmem>> -> memref<32x1024xf32, #tpu.memory_space<vmem>>
      %dma_wait3A_41 = arith.constant 0 : i32
      %dma_wait3A_42 = tpu.memref_slice %arg5[%add3A_36, %dma_wait3A_41] : memref<32x32xi32, #tpu.memory_space<vmem>> -> memref<1x32xi32, #tpu.memory_space<vmem>>
      %dma_wait3A_43 = tpu.memref_squeeze %dma_wait3A_42 : memref<1x32xi32, #tpu.memory_space<vmem>> -> memref<32xi32, #tpu.memory_space<vmem>>
      %dma_wait3A_44 = arith.constant 0 : i32
      %dma_wait3A_45 = arith.constant 0 : i32
      %dma_wait3A_46 = tpu.memref_slice %arg3[%dma_wait3A_44, %dma_wait3A_45] : memref<8192x1024xf32, #tpu.memory_space<hbm>> -> memref<8192x1024xf32, #tpu.memory_space<hbm>>
      tpu.wait_indirect_dma semaphore(%arg7 : memref<!tpu.dma_semaphore, #tpu.memory_space<semaphore_mem>>) src(%dma_wait3A_46 : memref<8192x1024xf32, #tpu.memory_space<hbm>>) dst(%dma_wait3A_40 : memref<32x1024xf32, #tpu.memory_space<vmem>>)
      %mul3A_47 = arith.constant 32 : i32
      %mul3A_48 = arith.muli %add3A_36, %mul3A_47 : i32
      %add3A_49 = arith.addi %mul3A_2, %mul3A_48 : i32
      %dma_start3A_50 = arith.constant 0 : i32
      %dma_start3A_51 = arith.constant 0 : i32
      %dma_start3A_52 = arith.constant 0 : i32
      %dma_start3A_53 = tpu.memref_slice %arg6[%dma_start3A_50, %dma_start3A_51, %dma_start3A_52] : memref<2x32x1024xf32, #tpu.memory_space<vmem>> -> memref<1x32x1024xf32, #tpu.memory_space<vmem>>
      %dma_start3A_54 = tpu.memref_squeeze %dma_start3A_53 : memref<1x32x1024xf32, #tpu.memory_space<vmem>> -> memref<32x1024xf32, #tpu.memory_space<vmem>>
      %dma_start3A_55 = arith.constant 0 : i32
      %dma_start3A_56 = tpu.memref_slice %arg4[%add3A_49, %dma_start3A_55] : memref<32768x1024xf32, #tpu.memory_space<hbm>> -> memref<32x1024xf32, #tpu.memory_space<hbm>>
      %dma_start3A_57 = arith.constant 0 : i32
      %dma_start3A_58 = tpu.memref_slice %arg4[%add3A_49, %dma_start3A_57] : memref<32768x1024xf32, #tpu.memory_space<hbm>> -> memref<32x1024xf32, #tpu.memory_space<hbm>>
      %dma_start3A_59 = arith.constant 0 : i32
      %dma_start3A_60 = arith.constant 0 : i32
      %dma_start3A_61 = tpu.memref_slice %arg6[%dma_start3A_50, %dma_start3A_59, %dma_start3A_60] : memref<2x32x1024xf32, #tpu.memory_space<vmem>> -> memref<1x32x1024xf32, #tpu.memory_space<vmem>>
      %dma_start3A_62 = tpu.memref_squeeze %dma_start3A_61 : memref<1x32x1024xf32, #tpu.memory_space<vmem>> -> memref<32x1024xf32, #tpu.memory_space<vmem>>
      tpu.enqueue_dma source(%dma_start3A_62 : memref<32x1024xf32, #tpu.memory_space<vmem>>) target(%dma_start3A_58 : memref<32x1024xf32, #tpu.memory_space<hbm>>) target_semaphore(%arg9 : memref<!tpu.dma_semaphore, #tpu.memory_space<semaphore_mem>>)
      %dma_wait3A_63 = arith.constant 0 : i32
      %dma_wait3A_64 = arith.constant 0 : i32
      %dma_wait3A_65 = arith.constant 0 : i32
      %dma_wait3A_66 = tpu.memref_slice %arg6[%dma_wait3A_63, %dma_wait3A_64, %dma_wait3A_65] : memref<2x32x1024xf32, #tpu.memory_space<vmem>> -> memref<1x32x1024xf32, #tpu.memory_space<vmem>>
      %dma_wait3A_67 = tpu.memref_squeeze %dma_wait3A_66 : memref<1x32x1024xf32, #tpu.memory_space<vmem>> -> memref<32x1024xf32, #tpu.memory_space<vmem>>
      %dma_wait3A_68 = arith.constant 0 : i32
      %dma_wait3A_69 = tpu.memref_slice %arg4[%add3A_49, %dma_wait3A_68] : memref<32768x1024xf32, #tpu.memory_space<hbm>> -> memref<32x1024xf32, #tpu.memory_space<hbm>>
      %dma_wait3A_70 = arith.constant 0 : i32
      %dma_wait3A_71 = tpu.memref_slice %arg4[%add3A_49, %dma_wait3A_70] : memref<32768x1024xf32, #tpu.memory_space<hbm>> -> memref<32x1024xf32, #tpu.memory_space<hbm>>
      %dma_wait3A_72 = arith.constant 0 : i32
      %dma_wait3A_73 = arith.constant 0 : i32
      %dma_wait3A_74 = tpu.memref_slice %arg6[%dma_wait3A_63, %dma_wait3A_72, %dma_wait3A_73] : memref<2x32x1024xf32, #tpu.memory_space<vmem>> -> memref<1x32x1024xf32, #tpu.memory_space<vmem>>
      %dma_wait3A_75 = tpu.memref_squeeze %dma_wait3A_74 : memref<1x32x1024xf32, #tpu.memory_space<vmem>> -> memref<32x1024xf32, #tpu.memory_space<vmem>>
      tpu.wait_dma2 semaphore(%arg9 : memref<!tpu.dma_semaphore, #tpu.memory_space<semaphore_mem>>) src(%dma_wait3A_75 : memref<32x1024xf32, #tpu.memory_space<vmem>>) dst(%dma_wait3A_71 : memref<32x1024xf32, #tpu.memory_space<hbm>>)
      %add3A_76 = arith.constant 2 : i32
      %add3A_77 = arith.addi %add3A_36, %add3A_76 : i32
      %lt3A = arith.constant 32 : i32
      %lt3A_78 = arith.cmpi slt, %add3A_77, %lt3A : i32
      %convert_element_type3A = arith.extui %lt3A_78 : i1 to i32
      %cond3A = arith.constant 0 : i32
      %cond3A_79 = arith.cmpi ne, %convert_element_type3A, %cond3A : i32
      scf.if %cond3A_79 {
        %add3A_129 = arith.constant 2 : i32
        %add3A_130 = arith.addi %add3A_36, %add3A_129 : i32
        %dma_start3A_131 = arith.constant 0 : i32
        %dma_start3A_132 = arith.constant 0 : i32
        %dma_start3A_133 = arith.constant 0 : i32
        %dma_start3A_134 = tpu.memref_slice %arg6[%dma_start3A_131, %dma_start3A_132, %dma_start3A_133] : memref<2x32x1024xf32, #tpu.memory_space<vmem>> -> memref<1x32x1024xf32, #tpu.memory_space<vmem>>
        %dma_start3A_135 = tpu.memref_squeeze %dma_start3A_134 : memref<1x32x1024xf32, #tpu.memory_space<vmem>> -> memref<32x1024xf32, #tpu.memory_space<vmem>>
        %dma_start3A_136 = arith.constant 0 : i32
        %dma_start3A_137 = tpu.memref_slice %arg5[%add3A_130, %dma_start3A_136] : memref<32x32xi32, #tpu.memory_space<vmem>> -> memref<1x32xi32, #tpu.memory_space<vmem>>
        %dma_start3A_138 = tpu.memref_squeeze %dma_start3A_137 : memref<1x32xi32, #tpu.memory_space<vmem>> -> memref<32xi32, #tpu.memory_space<vmem>>
        %dma_start3A_139 = arith.constant 0 : i32
        %dma_start3A_140 = arith.constant 0 : i32
        %dma_start3A_141 = tpu.memref_slice %arg3[%dma_start3A_139, %dma_start3A_140] : memref<8192x1024xf32, #tpu.memory_space<hbm>> -> memref<8192x1024xf32, #tpu.memory_space<hbm>>
        tpu.enqueue_indirect_dma source(%dma_start3A_141 : memref<8192x1024xf32, #tpu.memory_space<hbm>>) target(%dma_start3A_135 : memref<32x1024xf32, #tpu.memory_space<vmem>>) offsets(%dma_start3A_138 : memref<32xi32, #tpu.memory_space<vmem>>) semaphore(%arg7 : memref<!tpu.dma_semaphore, #tpu.memory_space<semaphore_mem>>)
      } else {
      }
      %add3A_80 = arith.constant 1 : i32
      %add3A_81 = arith.addi %add3A_34, %add3A_80 : i32
      %dma_wait3A_82 = arith.constant 1 : i32
      %dma_wait3A_83 = arith.constant 0 : i32
      %dma_wait3A_84 = arith.constant 0 : i32
      %dma_wait3A_85 = tpu.memref_slice %arg6[%dma_wait3A_82, %dma_wait3A_83, %dma_wait3A_84] : memref<2x32x1024xf32, #tpu.memory_space<vmem>> -> memref<1x32x1024xf32, #tpu.memory_space<vmem>>
      %dma_wait3A_86 = tpu.memref_squeeze %dma_wait3A_85 : memref<1x32x1024xf32, #tpu.memory_space<vmem>> -> memref<32x1024xf32, #tpu.memory_space<vmem>>
      %dma_wait3A_87 = arith.constant 0 : i32
      %dma_wait3A_88 = tpu.memref_slice %arg5[%add3A_81, %dma_wait3A_87] : memref<32x32xi32, #tpu.memory_space<vmem>> -> memref<1x32xi32, #tpu.memory_space<vmem>>
      %dma_wait3A_89 = tpu.memref_squeeze %dma_wait3A_88 : memref<1x32xi32, #tpu.memory_space<vmem>> -> memref<32xi32, #tpu.memory_space<vmem>>
      %dma_wait3A_90 = arith.constant 0 : i32
      %dma_wait3A_91 = arith.constant 0 : i32
      %dma_wait3A_92 = tpu.memref_slice %arg3[%dma_wait3A_90, %dma_wait3A_91] : memref<8192x1024xf32, #tpu.memory_space<hbm>> -> memref<8192x1024xf32, #tpu.memory_space<hbm>>
      tpu.wait_indirect_dma semaphore(%arg8 : memref<!tpu.dma_semaphore, #tpu.memory_space<semaphore_mem>>) src(%dma_wait3A_92 : memref<8192x1024xf32, #tpu.memory_space<hbm>>) dst(%dma_wait3A_86 : memref<32x1024xf32, #tpu.memory_space<vmem>>)
      %mul3A_93 = arith.constant 32 : i32
      %mul3A_94 = arith.muli %add3A_81, %mul3A_93 : i32
      %add3A_95 = arith.addi %mul3A_2, %mul3A_94 : i32
      %dma_start3A_96 = arith.constant 1 : i32
      %dma_start3A_97 = arith.constant 0 : i32
      %dma_start3A_98 = arith.constant 0 : i32
      %dma_start3A_99 = tpu.memref_slice %arg6[%dma_start3A_96, %dma_start3A_97, %dma_start3A_98] : memref<2x32x1024xf32, #tpu.memory_space<vmem>> -> memref<1x32x1024xf32, #tpu.memory_space<vmem>>
      %dma_start3A_100 = tpu.memref_squeeze %dma_start3A_99 : memref<1x32x1024xf32, #tpu.memory_space<vmem>> -> memref<32x1024xf32, #tpu.memory_space<vmem>>
      %dma_start3A_101 = arith.constant 0 : i32
      %dma_start3A_102 = tpu.memref_slice %arg4[%add3A_95, %dma_start3A_101] : memref<32768x1024xf32, #tpu.memory_space<hbm>> -> memref<32x1024xf32, #tpu.memory_space<hbm>>
      %dma_start3A_103 = arith.constant 0 : i32
      %dma_start3A_104 = tpu.memref_slice %arg4[%add3A_95, %dma_start3A_103] : memref<32768x1024xf32, #tpu.memory_space<hbm>> -> memref<32x1024xf32, #tpu.memory_space<hbm>>
      %dma_start3A_105 = arith.constant 0 : i32
      %dma_start3A_106 = arith.constant 0 : i32
      %dma_start3A_107 = tpu.memref_slice %arg6[%dma_start3A_96, %dma_start3A_105, %dma_start3A_106] : memref<2x32x1024xf32, #tpu.memory_space<vmem>> -> memref<1x32x1024xf32, #tpu.memory_space<vmem>>
      %dma_start3A_108 = tpu.memref_squeeze %dma_start3A_107 : memref<1x32x1024xf32, #tpu.memory_space<vmem>> -> memref<32x1024xf32, #tpu.memory_space<vmem>>
      tpu.enqueue_dma source(%dma_start3A_108 : memref<32x1024xf32, #tpu.memory_space<vmem>>) target(%dma_start3A_104 : memref<32x1024xf32, #tpu.memory_space<hbm>>) target_semaphore(%arg10 : memref<!tpu.dma_semaphore, #tpu.memory_space<semaphore_mem>>)
      %dma_wait3A_109 = arith.constant 1 : i32
      %dma_wait3A_110 = arith.constant 0 : i32
      %dma_wait3A_111 = arith.constant 0 : i32
      %dma_wait3A_112 = tpu.memref_slice %arg6[%dma_wait3A_109, %dma_wait3A_110, %dma_wait3A_111] : memref<2x32x1024xf32, #tpu.memory_space<vmem>> -> memref<1x32x1024xf32, #tpu.memory_space<vmem>>
      %dma_wait3A_113 = tpu.memref_squeeze %dma_wait3A_112 : memref<1x32x1024xf32, #tpu.memory_space<vmem>> -> memref<32x1024xf32, #tpu.memory_space<vmem>>
      %dma_wait3A_114 = arith.constant 0 : i32
      %dma_wait3A_115 = tpu.memref_slice %arg4[%add3A_95, %dma_wait3A_114] : memref<32768x1024xf32, #tpu.memory_space<hbm>> -> memref<32x1024xf32, #tpu.memory_space<hbm>>
      %dma_wait3A_116 = arith.constant 0 : i32
      %dma_wait3A_117 = tpu.memref_slice %arg4[%add3A_95, %dma_wait3A_116] : memref<32768x1024xf32, #tpu.memory_space<hbm>> -> memref<32x1024xf32, #tpu.memory_space<hbm>>
      %dma_wait3A_118 = arith.constant 0 : i32
      %dma_wait3A_119 = arith.constant 0 : i32
      %dma_wait3A_120 = tpu.memref_slice %arg6[%dma_wait3A_109, %dma_wait3A_118, %dma_wait3A_119] : memref<2x32x1024xf32, #tpu.memory_space<vmem>> -> memref<1x32x1024xf32, #tpu.memory_space<vmem>>
      %dma_wait3A_121 = tpu.memref_squeeze %dma_wait3A_120 : memref<1x32x1024xf32, #tpu.memory_space<vmem>> -> memref<32x1024xf32, #tpu.memory_space<vmem>>
      tpu.wait_dma2 semaphore(%arg10 : memref<!tpu.dma_semaphore, #tpu.memory_space<semaphore_mem>>) src(%dma_wait3A_121 : memref<32x1024xf32, #tpu.memory_space<vmem>>) dst(%dma_wait3A_117 : memref<32x1024xf32, #tpu.memory_space<hbm>>)
      %add3A_122 = arith.constant 2 : i32
      %add3A_123 = arith.addi %add3A_81, %add3A_122 : i32
      %lt3A_124 = arith.constant 32 : i32
      %lt3A_125 = arith.cmpi slt, %add3A_123, %lt3A_124 : i32
      %convert_element_type3A_126 = arith.extui %lt3A_125 : i1 to i32
      %cond3A_127 = arith.constant 0 : i32
      %cond3A_128 = arith.cmpi ne, %convert_element_type3A_126, %cond3A_127 : i32
      scf.if %cond3A_128 {
        %add3A_129 = arith.constant 2 : i32
        %add3A_130 = arith.addi %add3A_81, %add3A_129 : i32
        %dma_start3A_131 = arith.constant 1 : i32
        %dma_start3A_132 = arith.constant 0 : i32
        %dma_start3A_133 = arith.constant 0 : i32
        %dma_start3A_134 = tpu.memref_slice %arg6[%dma_start3A_131, %dma_start3A_132, %dma_start3A_133] : memref<2x32x1024xf32, #tpu.memory_space<vmem>> -> memref<1x32x1024xf32, #tpu.memory_space<vmem>>
        %dma_start3A_135 = tpu.memref_squeeze %dma_start3A_134 : memref<1x32x1024xf32, #tpu.memory_space<vmem>> -> memref<32x1024xf32, #tpu.memory_space<vmem>>
        %dma_start3A_136 = arith.constant 0 : i32
        %dma_start3A_137 = tpu.memref_slice %arg5[%add3A_130, %dma_start3A_136] : memref<32x32xi32, #tpu.memory_space<vmem>> -> memref<1x32xi32, #tpu.memory_space<vmem>>
        %dma_start3A_138 = tpu.memref_squeeze %dma_start3A_137 : memref<1x32xi32, #tpu.memory_space<vmem>> -> memref<32xi32, #tpu.memory_space<vmem>>
        %dma_start3A_139 = arith.constant 0 : i32
        %dma_start3A_140 = arith.constant 0 : i32
        %dma_start3A_141 = tpu.memref_slice %arg3[%dma_start3A_139, %dma_start3A_140] : memref<8192x1024xf32, #tpu.memory_space<hbm>> -> memref<8192x1024xf32, #tpu.memory_space<hbm>>
        tpu.enqueue_indirect_dma source(%dma_start3A_141 : memref<8192x1024xf32, #tpu.memory_space<hbm>>) target(%dma_start3A_135 : memref<32x1024xf32, #tpu.memory_space<vmem>>) offsets(%dma_start3A_138 : memref<32xi32, #tpu.memory_space<vmem>>) semaphore(%arg8 : memref<!tpu.dma_semaphore, #tpu.memory_space<semaphore_mem>>)
      } else {
      }
    }
    %scan3A_29 = arith.constant 16 : i32
    return
  }
}

</mosaic_0001>

<sc_bundles>
// kernel: _gather.3.cloned.1.call-start
scs
__scs_entry_jumppad:
0x0: {  	(pc) =	sbr.rel $0x88, $3  }
0x1: {  	(tag) =	ssettag $0x0;
	lr =	simm.s32 $0x1  }
0x2: {  	[smem:$0x3F9F] =	sst lr;
	_ =	strace $0xD0000000  }
0x3: {  	_ = 	snop  }
0x4: {  	_ = 	snop  }
0x5: {  	_ = 	snop  }
0x6: {  	_ = 	snop  }
0x7: {  	_ = 	snop  }
__scs_overlays_trampoline_lowered:
0x8: {  	[smem:$0x3FAE] =	sst s0  }
0x9: {  	[smem:$0x3FAF] =	sst s1  }
0xa: {  	[smem:$0x3FB0] =	sst s2  }
0xb: {  	[smem:$0x3FB1] =	sst s3  }
0xc: {  	[smem:$0x3FB2] =	sst s4  }
0xd: {  	[smem:$0x3FB3] =	sst s5  }
0xe: {  	[smem:$0x3FB4] =	sst s6  }
0xf: {  	[smem:$0x3FB5] =	sst s7  }
0x10: {  	[smem:$0x3FB6] =	sst s8  }
0x11: {  	[smem:$0x3FB7] =	sst s9;
	s0 =	simm.s32 @!p0 $0x0  }
0x12: {  	s1 =	sld [smem:$0x3F9D];
	s0 =	simm.s32 @p0 $0x1  }
0x13: {  	[smem:$0x3FB8] =	sst s0;
	s0 =	simm.s32 @!p1 $0x0  }
0x14: {  	s2 =	sld [smem:$0x3F9C];
	s0 =	simm.s32 @p1 $0x1  }
0x15: {  	[smem:$0x3FB9] =	sst s0;
	s0 =	simm.s32 @!p2 $0x0  }
0x16: {  	s3 =	sld [smem:$0x3FDB];
	s0 =	simm.s32 @p2 $0x1  }
0x17: {  	s4 =	simm.s32 $0x1BF5;
	[smem:$0x3FBB] =	sst s0  }
0x18: {  	s0 =	sld [smem:$0x3F9E];
	_ =	swait.ge [sflag:s4], $0x0  }
0x19: {  	s7 =	sld [smem:$0x3F9F]  }
0x1a: {  	s8 =	sadd.s32 $0xFFFFE003, lr  }
0x1b: {  	s9 =	sadd.s32 $0xFFFFFEF7, lr;
	s5 =	simm.s32 $0xFFFFFFFF;
	p2 =	slt.u32 s8, $0xFFFFF086  }
0x1c: {  	p1 =	slt.u32 s9, $0xF7A;
	s5 =	simm.s32 @!p2 $0x0  }
0x1d: {  	s5 =	simm.s32 @p1 $0x1;
	p0 =	seq.s32 s7, s2  }
0x1e: {  	s7 =	smul.u32 @!p0 $0xF7A, s2;
	p2 =	seq.s32 @!p0 s5, $0x0  }
0x1f: {  	s9 =	smul.u32 $0xF7A, s1;
	s8 =	simm.s32 @!p0 $0x1BF5;
	p2 =	por !p2, p0  }
0x20: {  	[sflag:s8] =	ssyncset.s32 @!p0 $0xFFFFF086;
	s6 =	sadd.s32 @!p0 s3, s7;
	s7 =	simm.s32 @!p0 $0x108  }
0x21: {  	s3 =	sadd.s32 s3, s9;
	s6 =	sadd.s32 @!p0 $0x88, s6;
	s7 =	simm.s32 @p2 $0x1082  }
0x22: {  	[simem:s7], [sflag:s8] =	dma.local @!p0 [hbm:s6], $0xF7A  }
0x23: {  	s9 =	sor.u32 $0xD0000000, s2;
	s6 =	simm.s32 $0x108;
	_ =	swait.ge @!p0 [sflag:s8], $0x0  }
0x24: {  	s3 =	sadd.s32 $0x88, s3;
	s6 =	simm.s32 @!p1 $0x1082;
	[sflag:s4] =	ssyncset.s32 $0xFFFFF086  }
0x25: {  	[simem:s6], [sflag:s4] =	dma.local [hbm:s3], $0xF7A  }
0x26: {  	[smem:$0x3F9F] =	sst s1;
	(tag) =	ssettag s2;
	_ =	strace s9  }
0x27: {  	s1 =	sld [smem:$0x3FAF]  }
0x28: {  	s2 =	sld [smem:$0x3FB0]  }
0x29: {  	s4 =	sld [smem:$0x3FB2]  }
0x2a: {  	p0 =	seq.s32 s5, $0x0;
	s5 =	sld [smem:$0x3FB3]  }
0x2b: {  	s6 =	sld [smem:$0x3FB4]  }
0x2c: {  	s7 =	sld [smem:$0x3FB5]  }
0x2d: {  	s3 =	simm.s32 $0x108;
	s8 =	sld [smem:$0x3FB6]  }
0x2e: {  	s3 =	simm.s32 @!p0 $0x1082;
	s9 =	sld [smem:$0x3FB7]  }
0x2f: {  	lr =	sadd.s32 s0, s3;
	s0 =	sld [smem:$0x3FAE]  }
0x30: {  	s3 =	sld [smem:$0x3FB1]  }
0x31: {  	[smem:$0x3FBA] =	sst s10  }
0x32: {  	s10 =	sld [smem:$0x3FB8];
	_ =	sdelay $0x3  }
0x33: {  	p0 =	seq.s32 s10, $0x1;
	s10 =	sld [smem:$0x3FBA];
	_ =	sdelay $0x3  }
0x34: {  	[smem:$0x3FBA] =	sst s10  }
0x35: {  	s10 =	sld [smem:$0x3FB9];
	_ =	sdelay $0x3  }
0x36: {  	p1 =	seq.s32 s10, $0x1;
	s10 =	sld [smem:$0x3FBA];
	_ =	sdelay $0x3  }
0x37: {  	[smem:$0x3FBA] =	sst s10  }
0x38: {  	s10 =	sld [smem:$0x3FBB]  }
0x39: {  	_ = 	snop;
	(pc) =	sbr.ind lr, $3  }
0x3a: {  	_ = 	snop  }
0x3b: {  	_ = 	snop  }
0x3c: {  	p2 =	seq.s32 s10, $0x1;
	s10 =	sld [smem:$0x3FBA]  }
0x3d: {  	_ =	shalt  }
0x3e: {  	_ =	shalt  }
0x3f: {  	_ =	shalt  }
0x40: {  	_ =	shalt  }
0x41: {  	_ =	shalt  }
0x42: {  	_ =	shalt  }
0x43: {  	_ =	shalt  }
0x44: {  	_ =	shalt  }
0x45: {  	_ =	shalt  }
0x46: {  	_ =	shalt  }
0x47: {  	_ =	shalt  }
0x48: {  	_ =	shalt  }
0x49: {  	_ =	shalt  }
0x4a: {  	_ =	shalt  }
0x4b: {  	_ =	shalt  }
0x4c: {  	_ =	shalt  }
0x4d: {  	_ =	shalt  }
0x4e: {  	_ =	shalt  }
0x4f: {  	_ =	shalt  }
0x50: {  	_ =	shalt  }
0x51: {  	_ =	shalt  }
0x52: {  	_ =	shalt  }
0x53: {  	_ =	shalt  }
0x54: {  	_ =	shalt  }
0x55: {  	_ =	shalt  }
0x56: {  	_ =	shalt  }
0x57: {  	_ =	shalt  }
0x58: {  	_ =	shalt  }
0x59: {  	_ =	shalt  }
0x5a: {  	_ =	shalt  }
0x5b: {  	_ =	shalt  }
0x5c: {  	_ =	shalt  }
0x5d: {  	_ =	shalt  }
0x5e: {  	_ =	shalt  }
0x5f: {  	_ =	shalt  }
0x60: {  	_ =	shalt  }
0x61: {  	_ =	shalt  }
0x62: {  	_ =	shalt  }
0x63: {  	_ =	shalt  }
0x64: {  	_ =	shalt  }
0x65: {  	_ =	shalt  }
0x66: {  	_ =	shalt  }
0x67: {  	_ =	shalt  }
0x68: {  	_ =	shalt  }
0x69: {  	_ =	shalt  }
0x6a: {  	_ =	shalt  }
0x6b: {  	_ =	shalt  }
0x6c: {  	_ =	shalt  }
0x6d: {  	_ =	shalt  }
0x6e: {  	_ =	shalt  }
0x6f: {  	_ =	shalt  }
0x70: {  	_ =	shalt  }
0x71: {  	_ =	shalt  }
0x72: {  	_ =	shalt  }
0x73: {  	_ =	shalt  }
0x74: {  	_ =	shalt  }
0x75: {  	_ =	shalt  }
0x76: {  	_ =	shalt  }
0x77: {  	_ =	shalt  }
0x78: {  	_ =	shalt  }
0x79: {  	_ =	shalt  }
0x7a: {  	_ =	shalt  }
0x7b: {  	_ =	shalt  }
0x7c: {  	_ =	shalt  }
0x7d: {  	_ =	shalt  }
0x7e: {  	_ =	shalt  }
0x7f: {  	_ =	shalt  }
0x80: {  	_ =	shalt  }
0x81: {  	_ =	shalt  }
0x82: {  	_ =	shalt  }
0x83: {  	_ =	shalt  }
0x84: {  	_ =	shalt  }
0x85: {  	_ =	shalt  }
0x86: {  	_ =	shalt  }
0x87: {  	_ =	shalt  }
.Lfunc_end0:
.L_simem_size_0:
called_computation_lowered:
.L_overlay_start_0:
0x88: {  	s2 =	sld [smem:$0x3FD9]  }
0x89: {  	s3 =	sld [smem:$0x3FFE];
	_ =	sdelay $0x1  }
0x8a: {  	s1 =	srdreg.scid  }
0x8b: {  	s0 =	sand.u32 $0x1, s1  }
0x8c: {  	s18 =	sshll.u32 s0, $0xA;
	s2 =	sadd.s32 s3, s2  }
0x8d: {  	s2 =	sadd.s32 s2, s18  }
0x8e: {  	[smem:$0x3FC6] =	sst s2  }
0x8f: {  	_ = 	snop  }
0x90: {  	s2 =	sld [smem:$0x3FC9]  }
0x91: {  	s19 =	sld [smem:$0x3FC8]  }
0x92: {  	s4 =	sld [smem:$0x3FD0];
	(tm) =	ssettm $0x1  }
0x93: {  	s5 =	sld [smem:$0x3FFB];
	_ =	sdelay $0x3  }
0x94: {  	_ =	strace s5  }
0x95: {  	s5 =	sld [smem:$0x3FFC];
	_ =	sdelay $0x3  }
0x96: {  	_ =	strace s5  }
0x97: {  	s5 =	sld [smem:$0x3FFD];
	_ =	sdelay $0x3  }
0x98: {  	_ =	strace s5  }
0x99: {  	_ =	strace $0x8FFFFFFF  }
0x9a: {  	s20 =	sld [smem:$0x3FDB];
	_ =	sdelay $0x1  }
0x9b: {  	s6 =	simm.s32 $_scs_section_size  }
0x9c: {  	s7 =	simm.s32 $_size__tile_overlayer_lowered;
	s8 =	simm.s32 $_tile_overlayer_lowered  }
0x9d: {  	s23 =	simm.s32 $0x1BFF;
	s22 =	sshll.u32 s8, $0x1;
	s5 =	sadd.s32 s6, s20  }
0x9e: {  	s9 =	simm.s32 $0x0;
	s21 =	sshll.u32 s7, $0x1;
	s7 =	sadd.s32 s22, s5  }
0x9f: {  	[timem:s9], [sflag:s23] =	dma.local [hbm:s7], s21  }
0xa0: {  	_ =	swait.ge [sflag:s23], s21  }
0xa1: {  	s6 =	ssub.s32 $0x0, s21;
	[sflag:s23] =	ssyncset.done $0x0  }
0xa2: {  	[sflag:s23] =	ssyncadd.s32 s6;
	_ =	sdelay $0x1  }
0xa3: {  	s24 =	simm.s32 $0x1B8B  }
0xa4: {  	_ =	swait.ge [sflag:s24], $0x1  }
0xa5: {  	[sflag:s24] =	ssyncset.done $0x0  }
0xa6: {  	s25 =	simm.s32 $0x1B8E;
	[sflag:s24] =	ssyncadd.s32 $0xFFFFFFFF  }
0xa7: {  	s26 =	simm.s32 $execute0_lowered;
	[smem:$0x3FD2] =	sst s25  }
0xa8: {  	s6 =	sshll.u32 s26, $0x1;
	_ =	strace $0x80000046;
	[dreg:$0x1] =	wrdreg $0xFFFFFFFF  }
0xa9: {  	s28 =	simm.s32 $_size_execute0_lowered;
	s5 =	sadd.s32 s5, s6;
	[dreg:$0x0] =	wrdreg $0x0  }
0xaa: {  	s6 =	sshll.u32 s28, $0x1;
	[dreg:$0x2] =	wrdreg s5  }
0xab: {  	[dreg:$0x3] =	wrdreg s6  }
0xac: {  	[dreg:$0x4] =	wrdreg $0xC0  }
0xad: {  	_ =	task [dreg:s9], $0x5FFFF  }
0xae: {  	[dreg:$0x1] =	wrdreg $0xFFFFFFFF  }
0xaf: {  	[dreg:$0x0] =	wrdreg $0x60  }
0xb0: {  	[dreg:$0x2] =	wrdreg s2  }
0xb1: {  	[dreg:$0x3] =	wrdreg s19  }
0xb2: {  	[dreg:$0x4] =	wrdreg s4  }
0xb3: {  	[dreg:$0x5] =	wrdreg $0x9  }
0xb4: {  	_ =	task.clear_ibuf [dreg:s9], $0x6FFFF;
	_ =	strace $0x90000046  }
0xb5: {  	s29 =	simm.s32 $0x9;
	_ =	strace $0x80000048  }
0xb6: {  	_ =	swait.ge [sflag:s29], $0x1  }
0xb7: {  	[sflag:s29] =	ssyncadd.s32 $0xFFFFFFFF  }
0xb8: {  	_ =	strace $0x90000048  }
0xb9: {  	_ =	sfence  }
0xba: {  	s30 =	sld [smem:$0x0];
	_ =	sdelay $0x2  }
0xbb: {  	s31 =	sshll.u32 s1, $0xD;
	s1 =	sshrl.u32 s1, $0x2  }
0xbc: {  	s3 =	sand.u32 $0x4000, s31;
	s1 =	sadd.s32 s1, s30  }
0xbd: {  	s0 =	sor.u32 s3, s0;
	s1 =	sshll.u32 s1, $0x11  }
0xbe: {  	s0 =	sor.u32 s1, s0  }
0xbf: {  	s0 =	sadd.s32 $0x8F2B, s0  }
0xc0: {  	[sflag:s0] =	ssyncadd.remote.s32 $0x1  }
0xc1: {  	_ =	sfence.sel $0xFFFF  }
0xc2: {  	[dreg:$0x0] =	wrdreg $0xFFFFFFFF;
	(pc) =	sbr.abs _section_cstart, $3  }
0xc3: {  	[dreg:$0x1] =	wrdreg $0xFFFFFFFF  }
0xc4: {  	_ =	task.clear_ibuf [dreg:s9], $0x2FFFF;
	_ =	strace $0x9FFFFFFF  }
0xc5: {  	(tm) =	ssettm $0x7FFFFFFF  }
tec
execute0_lowered:
.L_overlay_start_1:
0x0: {  	(tag) =	ssettag $0x1  }
0x1: {  	s0 =	rddreg [dreg:$0x0]  }
0x2: {  	s1 =	rddreg [dreg:$0x1]  }
0x3: {  	s2 =	rddreg [dreg:$0x2]  }
0x4: {  	s3 =	simm.s32 $0x0;
	s4 =	srdreg.scid;
	s9 =	stileid.u32  }
0x5: {  	s28 =	simm.s32 $0x9000;
	s29 =	simm.s32 $0x9800;
	s30 =	simm.s32 $0xA000  }
0x6: {  	s31 =	simm.s32 $0xA800;
	s12 =	simm.s32 $0xC000;
	s13 =	simm.s32 $0xC800  }
0x7: {  	s14 =	simm.s32 $0xD000;
	s15 =	simm.s32 $0xD800;
	s16 =	simm.s32 $0xE000  }
0x8: {  	s17 =	simm.s32 $0xE800;
	s18 =	simm.s32 $0xF000;
	s19 =	simm.s32 $0xF800  }
0x9: {  	s20 =	simm.s32 $0x10000;
	s21 =	simm.s32 $0x10800;
	s22 =	simm.s32 $0x1  }
0xa: {  	s23 =	simm.s32 $0x3;
	s24 =	simm.s32 $0x2;
	[smem:$0x7FF] =	sst s3  }
0xb: {  	s4 =	sand.u32 $0x1, s4;
	s6 =	sshll.u32 s9, $0xA;
	s25 =	sshll.u32 s9, $0x12  }
0xc: {  	s5 =	ssub.s32 $0x2, s4;
	s7 =	sshll.u32 s4, $0x9;
	_ =	strace $0x80000047  }
0xd: {  	s26 =	sshll.u32 s4, $0x11;
	s8 =	sshrl.u32 s5, $0x1;
	s6 =	sor.u32 s7, s6  }
.Ltmp0:
0xe: {  	s7 =	sadd.s32 $0x300, s1;
	s8 =	ssub.s32 s5, s8;
	(pc) =	sbr.rel .LBB2_1-.Ltmp0, $4  }
0xf: {  	s0 =	sadd.s32 s0, s6;
	s5 =	sadd.s32 $0x100, s1;
	s6 =	sadd.s32 $0x200, s1  }
0x10: {  	v2 =	vlaneseq.u32;
	[dreg:$0x4] =	wrdreg s0;
	s8 =	smax.u32 s8, $0x1;
	s0 =	sadd.s32 s25, s2  }
0x11: {  	vm0 =	vmmov $0xffff;
	v1 =	vshrl.u32 v2, $0x3;
	s2 =	simm.s32 $0xB800;
	s25 =	simm.s32 $0x4;
	[dreg:$0x5] =	wrdreg s8  }
0x12: {  	v0 =	vand.u32 $0x7, v2;
	v2 =	vor.u32 $0x8, v2;
	v1 =	vmul.u32 $0x8, v1;
	s9 =	sadd.s32 s26, s0;
	s0 =	simm.s32 $0xB000;
	s8 =	simm.s32 $0x0  }
.LBB2_4:
0x13: {  	s8 =	rddreg [dreg:$0x6]  }
0x14: {  	s4 =	rddreg [dreg:$0x5];
	s8 =	sadd.s32 $0x1, s8  }
0x15: {  	p0 =	sne.s32 s8, s4  }
.Ltmp1:
0x16: {  	_ = 	snop;
	(pc) =	sbr.rel @!p0 .LBB2_5-.Ltmp1, $1  }
0x17: {  	_ =	sdelay $0x3  }
.LBB2_1:
0x18: {  	[dreg:$0x6] =	wrdreg s8  }
0x19: {  	s4 =	rddreg [dreg:$0x4];
	s26 =	simm.s32 $0x5  }
0x1a: {  	[tilespmem:s3], [sflag:$0x5] =	stream.linear.gather [hbm4b:s4+s3], $0x1000, $0x38;
	[tilespmem:$0x11000] =	vst v63  }
0x1b: {  	_ =	swait.ge [sflag:s26], $0x1000  }
0x1c: {  	[sflag:s26] =	ssyncset.done $0x0  }
0x1d: {  	[sflag:s26] =	ssyncadd.s32 $0xFFFFF000  }
0x1e: {  	v3 =	vld [tilespmem:$0x0];
	_ =	sdelay $0x4  }
0x1f: {  	v4 =	vshll.u32 v3, $0x3  }
0x20: {  	v3 =	vand.u32 $0x7, v3;
	v4 =	vand.u32 $0xFFFFFFC0, v4  }
0x21: {  	v3 =	vor.u32 v3, v4  }
0x22: {  	v4 =	vperm.xlane v3, v0;
	_ =	sdelay $0x1  }
0x23: {  	v4 =	vadd.s32 v1, v4;
	_ =	sdelay $0x3  }
0x24: {  	s8 =	simm.s32 $0x1000  }
0x25: {  	[tilespmem:s8], [sflag:$0x1] =	stream.indirect_vreg.gather [hbm4b:s1+s3], $0x80, v4, vm0, $0xb8;
	[tilespmem:$0x11000] =	vst v63  }
0x26: {  	s10 =	simm.s32 $0x1800;
	v3 =	vperm.xlane v3, v2  }
0x27: {  	[tilespmem:s10], [sflag:$0x1] =	stream.indirect_vreg.gather [hbm4b:s5+s3], $0x80, v4, vm0, $0xb8;
	[tilespmem:$0x11000] =	vst v63  }
0x28: {  	s11 =	simm.s32 $0x2000;
	v3 =	vadd.s32 v1, v3  }
0x29: {  	[tilespmem:s11], [sflag:$0x1] =	stream.indirect_vreg.gather [hbm4b:s6+s3], $0x80, v4, vm0, $0xb8;
	[tilespmem:$0x11000] =	vst v63  }
0x2a: {  	s26 =	simm.s32 $0x2800  }
0x2b: {  	[tilespmem:s26], [sflag:$0x1] =	stream.indirect_vreg.gather [hbm4b:s7+s3], $0x80, v4, vm0, $0xb8;
	[tilespmem:$0x11000] =	vst v63  }
0x2c: {  	s8 =	simm.s32 $0x3000  }
0x2d: {  	[tilespmem:s8], [sflag:$0x1] =	stream.indirect_vreg.gather [hbm4b:s1+s3], $0x80, v3, vm0, $0xb8;
	[tilespmem:$0x11000] =	vst v63  }
0x2e: {  	s10 =	simm.s32 $0x3800  }
0x2f: {  	[tilespmem:s10], [sflag:$0x1] =	stream.indirect_vreg.gather [hbm4b:s5+s3], $0x80, v3, vm0, $0xb8;
	[tilespmem:$0x11000] =	vst v63  }
0x30: {  	s11 =	simm.s32 $0x4000  }
0x31: {  	[tilespmem:s11], [sflag:$0x1] =	stream.indirect_vreg.gather [hbm4b:s6+s3], $0x80, v3, vm0, $0xb8;
	[tilespmem:$0x11000] =	vst v63  }
0x32: {  	s26 =	simm.s32 $0x4800  }
0x33: {  	[tilespmem:s26], [sflag:$0x1] =	stream.indirect_vreg.gather [hbm4b:s7+s3], $0x80, v3, vm0, $0xb8;
	[tilespmem:$0x11000] =	vst v63  }
0x34: {  	v3 =	vld [tilespmem:$0x10];
	_ =	sdelay $0x4  }
0x35: {  	v61 =	vshll.u32 v3, $0x3  }
0x36: {  	v3 =	vand.u32 $0x7, v3;
	v4 =	vand.u32 $0xFFFFFFC0, v61  }
0x37: {  	v3 =	vor.u32 v3, v4  }
0x38: {  	v4 =	vperm.xlane v3, v0;
	_ =	sdelay $0x1  }
0x39: {  	v4 =	vadd.s32 v1, v4;
	_ =	sdelay $0x3  }
0x3a: {  	s8 =	simm.s32 $0x5000  }
0x3b: {  	[tilespmem:s8], [sflag:$0x1] =	stream.indirect_vreg.gather [hbm4b:s1+s3], $0x80, v4, vm0, $0xb8;
	[tilespmem:$0x11000] =	vst v63  }
0x3c: {  	s10 =	simm.s32 $0x5800;
	v3 =	vperm.xlane v3, v2  }
0x3d: {  	[tilespmem:s10], [sflag:$0x1] =	stream.indirect_vreg.gather [hbm4b:s5+s3], $0x80, v4, vm0, $0xb8;
	[tilespmem:$0x11000] =	vst v63  }
0x3e: {  	s11 =	simm.s32 $0x6000;
	v3 =	vadd.s32 v1, v3  }
0x3f: {  	[tilespmem:s11], [sflag:$0x1] =	stream.indirect_vreg.gather [hbm4b:s6+s3], $0x80, v4, vm0, $0xb8;
	[tilespmem:$0x11000] =	vst v63  }
0x40: {  	s26 =	simm.s32 $0x6800  }
0x41: {  	[tilespmem:s26], [sflag:$0x1] =	stream.indirect_vreg.gather [hbm4b:s7+s3], $0x80, v4, vm0, $0xb8;
	[tilespmem:$0x11000] =	vst v63  }
0x42: {  	s8 =	simm.s32 $0x7000  }
0x43: {  	[tilespmem:s8], [sflag:$0x1] =	stream.indirect_vreg.gather [hbm4b:s1+s3], $0x80, v3, vm0, $0xb8;
	[tilespmem:$0x11000] =	vst v63  }
0x44: {  	s10 =	simm.s32 $0x7800  }
0x45: {  	[tilespmem:s10], [sflag:$0x1] =	stream.indirect_vreg.gather [hbm4b:s5+s3], $0x80, v3, vm0, $0xb8;
	[tilespmem:$0x11000] =	vst v63  }
0x46: {  	s11 =	simm.s32 $0x8000  }
0x47: {  	[tilespmem:s11], [sflag:$0x1] =	stream.indirect_vreg.gather [hbm4b:s6+s3], $0x80, v3, vm0, $0xb8;
	[tilespmem:$0x11000] =	vst v63  }
0x48: {  	s26 =	simm.s32 $0x8800  }
0x49: {  	[tilespmem:s26], [sflag:$0x1] =	stream.indirect_vreg.gather [hbm4b:s7+s3], $0x80, v3, vm0, $0xb8;
	[tilespmem:$0x11000] =	vst v63  }
0x4a: {  	v3 =	vld [tilespmem:$0x80];
	_ =	sdelay $0x4  }
0x4b: {  	v62 =	vshll.u32 v3, $0x3  }
0x4c: {  	v3 =	vand.u32 $0x7, v3;
	v4 =	vand.u32 $0xFFFFFFC0, v62  }
0x4d: {  	v3 =	vor.u32 v3, v4  }
0x4e: {  	v4 =	vperm.xlane v3, v0;
	_ =	sdelay $0x1  }
0x4f: {  	v4 =	vadd.s32 v1, v4;
	_ =	sdelay $0x4  }
0x50: {  	[tilespmem:s28], [sflag:$0x2] =	stream.indirect_vreg.gather [hbm4b:s1+s3], $0x80, v4, vm0, $0xb8;
	[tilespmem:$0x11000] =	vst v63  }
0x51: {  	v3 =	vperm.xlane v3, v2  }
0x52: {  	[tilespmem:s29], [sflag:$0x2] =	stream.indirect_vreg.gather [hbm4b:s5+s3], $0x80, v4, vm0, $0xb8;
	[tilespmem:$0x11000] =	vst v63  }
0x53: {  	v3 =	vadd.s32 v1, v3  }
0x54: {  	[tilespmem:s30], [sflag:$0x2] =	stream.indirect_vreg.gather [hbm4b:s6+s3], $0x80, v4, vm0, $0xb8;
	[tilespmem:$0x11000] =	vst v63  }
0x55: {  	_ = 	snop  }
0x56: {  	[tilespmem:s31], [sflag:$0x2] =	stream.indirect_vreg.gather [hbm4b:s7+s3], $0x80, v4, vm0, $0xb8;
	[tilespmem:$0x11000] =	vst v63  }
0x57: {  	_ = 	snop  }
0x58: {  	[tilespmem:s0], [sflag:$0x2] =	stream.indirect_vreg.gather [hbm4b:s1+s3], $0x80, v3, vm0, $0xb8;
	[tilespmem:$0x11000] =	vst v63  }
0x59: {  	_ = 	snop  }
0x5a: {  	[tilespmem:s2], [sflag:$0x2] =	stream.indirect_vreg.gather [hbm4b:s5+s3], $0x80, v3, vm0, $0xb8;
	[tilespmem:$0x11000] =	vst v63  }
0x5b: {  	_ = 	snop  }
0x5c: {  	[tilespmem:s12], [sflag:$0x2] =	stream.indirect_vreg.gather [hbm4b:s6+s3], $0x80, v3, vm0, $0xb8;
	[tilespmem:$0x11000] =	vst v63  }
0x5d: {  	_ = 	snop  }
0x5e: {  	[tilespmem:s13], [sflag:$0x2] =	stream.indirect_vreg.gather [hbm4b:s7+s3], $0x80, v3, vm0, $0xb8;
	[tilespmem:$0x11000] =	vst v63  }
0x5f: {  	v3 =	vld [tilespmem:$0x90];
	_ =	sdelay $0x4  }
0x60: {  	v63 =	vshll.u32 v3, $0x3  }
0x61: {  	v3 =	vand.u32 $0x7, v3;
	v4 =	vand.u32 $0xFFFFFFC0, v63  }
0x62: {  	v3 =	vor.u32 v3, v4  }
0x63: {  	v4 =	vperm.xlane v3, v0;
	_ =	sdelay $0x1  }
0x64: {  	v4 =	vadd.s32 v1, v4;
	_ =	sdelay $0x4  }
0x65: {  	[tilespmem:s14], [sflag:$0x2] =	stream.indirect_vreg.gather [hbm4b:s1+s3], $0x80, v4, vm0, $0xb8;
	[tilespmem:$0x11000] =	vst v63  }
0x66: {  	v3 =	vperm.xlane v3, v2  }
0x67: {  	[tilespmem:s15], [sflag:$0x2] =	stream.indirect_vreg.gather [hbm4b:s5+s3], $0x80, v4, vm0, $0xb8;
	[tilespmem:$0x11000] =	vst v63  }
0x68: {  	v3 =	vadd.s32 v1, v3  }
0x69: {  	[tilespmem:s16], [sflag:$0x2] =	stream.indirect_vreg.gather [hbm4b:s6+s3], $0x80, v4, vm0, $0xb8;
	[tilespmem:$0x11000] =	vst v63  }
0x6a: {  	_ = 	snop  }
0x6b: {  	[tilespmem:s17], [sflag:$0x2] =	stream.indirect_vreg.gather [hbm4b:s7+s3], $0x80, v4, vm0, $0xb8;
	[tilespmem:$0x11000] =	vst v63  }
0x6c: {  	_ = 	snop  }
0x6d: {  	[tilespmem:s18], [sflag:$0x2] =	stream.indirect_vreg.gather [hbm4b:s1+s3], $0x80, v3, vm0, $0xb8;
	[tilespmem:$0x11000] =	vst v63  }
0x6e: {  	_ = 	snop  }
0x6f: {  	[tilespmem:s19], [sflag:$0x2] =	stream.indirect_vreg.gather [hbm4b:s5+s3], $0x80, v3, vm0, $0xb8;
	[tilespmem:$0x11000] =	vst v63  }
0x70: {  	_ = 	snop  }
0x71: {  	[tilespmem:s20], [sflag:$0x2] =	stream.indirect_vreg.gather [hbm4b:s6+s3], $0x80, v3, vm0, $0xb8;
	[tilespmem:$0x11000] =	vst v63  }
0x72: {  	s4 =	simm.s32 $0x190;
	s8 =	simm.s32 $0x0  }
0x73: {  	[tilespmem:s21], [sflag:$0x2] =	stream.indirect_vreg.gather [hbm4b:s7+s3], $0x80, v3, vm0, $0xb8;
	[tilespmem:$0x11000] =	vst v63  }
.LBB2_2:
0x74: {  	_ =	swait.ge [sflag:s22], $0x8000  }
0x75: {  	[sflag:s22] =	ssyncset.done $0x0  }
0x76: {  	s10 =	sadd.s32 s8, s9;
	s11 =	simm.s32 $0x1000;
	[sflag:s22] =	ssyncadd.s32 $0xFFFF8000  }
0x77: {  	[hbm4b:s10+s3] =	stream.linear.scatter [tilespmem:s11], [sflag:$0x3], $0x8000, $0x38;
	[tilespmem:$0x11000] =	vst v63  }
0x78: {  	_ =	swait.ge [sflag:s23], $0x8000  }
0x79: {  	[sflag:s23] =	ssyncset.done $0x0  }
0x7a: {  	p0 =	seq.s32 s8, $0x1E000;
	[sflag:s23] =	ssyncadd.s32 $0xFFFF8000  }
0x7b: {  	v3 =	vld @!p0 [tilespmem:s4+$0xFFFFFF70];
	_ =	sdelay $0x4  }
0x7c: {  	v4 =	vshll.u32 @!p0 v3, $0x3  }
0x7d: {  	v5 =	vlaneseq.u32 @!p0;
	v3 =	vand.u32 @!p0 $0x7, v3;
	v4 =	vand.u32 @!p0 $0xFFFFFFC0, v4  }
0x7e: {  	v6 =	vshrl.u32 @!p0 v5, $0x3;
	v3 =	vor.u32 @!p0 v3, v4;
	v4 =	vand.u32 @!p0 $0x7, v5  }
0x7f: {  	v6 =	vmul.u32 @!p0 $0x8, v6;
	v7 =	vperm.xlane @!p0 v3, v4;
	_ =	sdelay $0x1  }
0x80: {  	v7 =	vadd.s32 @!p0 v6, v7;
	_ =	sdelay $0x3  }
0x81: {  	vm1 =	vmmov @!p0 $0xffff;
	s26 =	simm.s32 @!p0 $0x0;
	s11 =	simm.s32 @!p0 $0x1000  }
0x82: {  	v5 =	vor.u32 @!p0 $0x8, v5;
	[tilespmem:s11], [sflag:$0x1] =	stream.indirect_vreg.gather @!p0 [hbm4b:s1+s26], $0x80, v7, vm1, $0xb8;
	[tilespmem:$0x11000] =	vst v63  }
0x83: {  	v3 =	vperm.xlane @!p0 v3, v5;
	s11 =	simm.s32 @!p0 $0x1800  }
0x84: {  	[tilespmem:s11], [sflag:$0x1] =	stream.indirect_vreg.gather @!p0 [hbm4b:s5+s26], $0x80, v7, vm1, $0xb8;
	[tilespmem:$0x11000] =	vst v63  }
0x85: {  	v3 =	vadd.s32 @!p0 v6, v3;
	s11 =	simm.s32 @!p0 $0x2000  }
0x86: {  	[tilespmem:s11], [sflag:$0x1] =	stream.indirect_vreg.gather @!p0 [hbm4b:s6+s26], $0x80, v7, vm1, $0xb8;
	[tilespmem:$0x11000] =	vst v63  }
0x87: {  	s11 =	simm.s32 @!p0 $0x2800  }
0x88: {  	[tilespmem:s11], [sflag:$0x1] =	stream.indirect_vreg.gather @!p0 [hbm4b:s7+s26], $0x80, v7, vm1, $0xb8;
	[tilespmem:$0x11000] =	vst v63  }
0x89: {  	s11 =	simm.s32 @!p0 $0x3000  }
0x8a: {  	[tilespmem:s11], [sflag:$0x1] =	stream.indirect_vreg.gather @!p0 [hbm4b:s1+s26], $0x80, v3, vm1, $0xb8;
	[tilespmem:$0x11000] =	vst v63  }
0x8b: {  	s11 =	simm.s32 @!p0 $0x3800  }
0x8c: {  	[tilespmem:s11], [sflag:$0x1] =	stream.indirect_vreg.gather @!p0 [hbm4b:s5+s26], $0x80, v3, vm1, $0xb8;
	[tilespmem:$0x11000] =	vst v63  }
0x8d: {  	s11 =	simm.s32 @!p0 $0x4000  }
0x8e: {  	[tilespmem:s11], [sflag:$0x1] =	stream.indirect_vreg.gather @!p0 [hbm4b:s6+s26], $0x80, v3, vm1, $0xb8;
	[tilespmem:$0x11000] =	vst v63  }
0x8f: {  	s11 =	simm.s32 @!p0 $0x4800  }
0x90: {  	[tilespmem:s11], [sflag:$0x1] =	stream.indirect_vreg.gather @!p0 [hbm4b:s7+s26], $0x80, v3, vm1, $0xb8;
	[tilespmem:$0x11000] =	vst v63  }
0x91: {  	v3 =	vld @!p0 [tilespmem:s4+$0xFFFFFF80];
	_ =	sdelay $0x4  }
0x92: {  	v7 =	vshll.u32 @!p0 v3, $0x3  }
0x93: {  	v3 =	vand.u32 @!p0 $0x7, v3;
	v7 =	vand.u32 @!p0 $0xFFFFFFC0, v7  }
0x94: {  	v3 =	vor.u32 @!p0 v3, v7  }
0x95: {  	v4 =	vperm.xlane @!p0 v3, v4;
	_ =	sdelay $0x1  }
0x96: {  	v4 =	vadd.s32 @!p0 v6, v4;
	_ =	sdelay $0x3  }
0x97: {  	s11 =	simm.s32 @!p0 $0x5000  }
0x98: {  	[tilespmem:s11], [sflag:$0x1] =	stream.indirect_vreg.gather @!p0 [hbm4b:s1+s26], $0x80, v4, vm1, $0xb8;
	[tilespmem:$0x11000] =	vst v63  }
0x99: {  	v3 =	vperm.xlane @!p0 v3, v5;
	s11 =	simm.s32 @!p0 $0x5800  }
0x9a: {  	[tilespmem:s11], [sflag:$0x1] =	stream.indirect_vreg.gather @!p0 [hbm4b:s5+s26], $0x80, v4, vm1, $0xb8;
	[tilespmem:$0x11000] =	vst v63  }
0x9b: {  	v3 =	vadd.s32 @!p0 v6, v3;
	s11 =	simm.s32 @!p0 $0x6000  }
0x9c: {  	[tilespmem:s11], [sflag:$0x1] =	stream.indirect_vreg.gather @!p0 [hbm4b:s6+s26], $0x80, v4, vm1, $0xb8;
	[tilespmem:$0x11000] =	vst v63  }
0x9d: {  	s11 =	simm.s32 @!p0 $0x6800  }
0x9e: {  	[tilespmem:s11], [sflag:$0x1] =	stream.indirect_vreg.gather @!p0 [hbm4b:s7+s26], $0x80, v4, vm1, $0xb8;
	[tilespmem:$0x11000] =	vst v63  }
0x9f: {  	s11 =	simm.s32 @!p0 $0x7000  }
0xa0: {  	[tilespmem:s11], [sflag:$0x1] =	stream.indirect_vreg.gather @!p0 [hbm4b:s1+s26], $0x80, v3, vm1, $0xb8;
	[tilespmem:$0x11000] =	vst v63  }
0xa1: {  	s11 =	simm.s32 @!p0 $0x7800  }
0xa2: {  	[tilespmem:s11], [sflag:$0x1] =	stream.indirect_vreg.gather @!p0 [hbm4b:s5+s26], $0x80, v3, vm1, $0xb8;
	[tilespmem:$0x11000] =	vst v63  }
0xa3: {  	s11 =	simm.s32 @!p0 $0x8000  }
0xa4: {  	[tilespmem:s11], [sflag:$0x1] =	stream.indirect_vreg.gather @!p0 [hbm4b:s6+s26], $0x80, v3, vm1, $0xb8;
	[tilespmem:$0x11000] =	vst v63  }
0xa5: {  	s11 =	simm.s32 @!p0 $0x8800  }
0xa6: {  	[tilespmem:s11], [sflag:$0x1] =	stream.indirect_vreg.gather @!p0 [hbm4b:s7+s26], $0x80, v3, vm1, $0xb8;
	[tilespmem:$0x11000] =	vst v63  }
0xa7: {  	_ =	swait.ge [sflag:s24], $0x8000  }
0xa8: {  	[sflag:s24] =	ssyncset.done $0x0  }
.Ltmp2:
0xa9: {  	s10 =	sadd.s32 $0x1000, s10;
	[sflag:s24] =	ssyncadd.s32 $0xFFFF8000;
	(pc) =	sbr.rel @p0 .LBB2_4-.Ltmp2, $4  }
0xaa: {  	[hbm4b:s10+s3] =	stream.linear.scatter [tilespmem:s28], [sflag:$0x4], $0x8000, $0x38;
	[tilespmem:$0x11000] =	vst v63  }
0xab: {  	_ =	swait.ge [sflag:s25], $0x8000  }
0xac: {  	[sflag:s25] =	ssyncset.done $0x0  }
0xad: {  	[sflag:s25] =	ssyncadd.s32 $0xFFFF8000  }
0xae: {  	v3 =	vld [tilespmem:s4+$0xFFFFFFF0];
	_ =	sdelay $0x4  }
0xaf: {  	v4 =	vshll.u32 v3, $0x3  }
0xb0: {  	v3 =	vand.u32 $0x7, v3;
	v4 =	vand.u32 $0xFFFFFFC0, v4  }
0xb1: {  	v3 =	vor.u32 v3, v4  }
0xb2: {  	v4 =	vperm.xlane v3, v0;
	_ =	sdelay $0x1  }
0xb3: {  	v4 =	vadd.s32 v1, v4;
	_ =	sdelay $0x4  }
0xb4: {  	[tilespmem:s28], [sflag:$0x2] =	stream.indirect_vreg.gather [hbm4b:s1+s3], $0x80, v4, vm0, $0xb8;
	[tilespmem:$0x11000] =	vst v63  }
0xb5: {  	v3 =	vperm.xlane v3, v2  }
0xb6: {  	[tilespmem:s29], [sflag:$0x2] =	stream.indirect_vreg.gather [hbm4b:s5+s3], $0x80, v4, vm0, $0xb8;
	[tilespmem:$0x11000] =	vst v63  }
0xb7: {  	v3 =	vadd.s32 v1, v3  }
0xb8: {  	[tilespmem:s30], [sflag:$0x2] =	stream.indirect_vreg.gather [hbm4b:s6+s3], $0x80, v4, vm0, $0xb8;
	[tilespmem:$0x11000] =	vst v63  }
0xb9: {  	_ = 	snop  }
0xba: {  	[tilespmem:s31], [sflag:$0x2] =	stream.indirect_vreg.gather [hbm4b:s7+s3], $0x80, v4, vm0, $0xb8;
	[tilespmem:$0x11000] =	vst v63  }
0xbb: {  	_ = 	snop  }
0xbc: {  	[tilespmem:s0], [sflag:$0x2] =	stream.indirect_vreg.gather [hbm4b:s1+s3], $0x80, v3, vm0, $0xb8;
	[tilespmem:$0x11000] =	vst v63  }
0xbd: {  	_ = 	snop  }
0xbe: {  	[tilespmem:s2], [sflag:$0x2] =	stream.indirect_vreg.gather [hbm4b:s5+s3], $0x80, v3, vm0, $0xb8;
	[tilespmem:$0x11000] =	vst v63  }
0xbf: {  	_ = 	snop  }
0xc0: {  	[tilespmem:s12], [sflag:$0x2] =	stream.indirect_vreg.gather [hbm4b:s6+s3], $0x80, v3, vm0, $0xb8;
	[tilespmem:$0x11000] =	vst v63  }
0xc1: {  	_ = 	snop  }
0xc2: {  	[tilespmem:s13], [sflag:$0x2] =	stream.indirect_vreg.gather [hbm4b:s7+s3], $0x80, v3, vm0, $0xb8;
	[tilespmem:$0x11000] =	vst v63  }
0xc3: {  	v3 =	vld [tilespmem:s4+$0x0];
	_ =	sdelay $0x4  }
0xc4: {  	v63 =	vshll.u32 v3, $0x3  }
0xc5: {  	v3 =	vand.u32 $0x7, v3;
	v4 =	vand.u32 $0xFFFFFFC0, v63  }
0xc6: {  	v3 =	vor.u32 v3, v4  }
0xc7: {  	v4 =	vperm.xlane v3, v0;
	_ =	sdelay $0x1  }
0xc8: {  	v4 =	vadd.s32 v1, v4;
	_ =	sdelay $0x4  }
0xc9: {  	[tilespmem:s14], [sflag:$0x2] =	stream.indirect_vreg.gather [hbm4b:s1+s3], $0x80, v4, vm0, $0xb8;
	[tilespmem:$0x11000] =	vst v63  }
0xca: {  	v3 =	vperm.xlane v3, v2  }
0xcb: {  	[tilespmem:s15], [sflag:$0x2] =	stream.indirect_vreg.gather [hbm4b:s5+s3], $0x80, v4, vm0, $0xb8;
	[tilespmem:$0x11000] =	vst v63  }
0xcc: {  	v3 =	vadd.s32 v1, v3  }
0xcd: {  	[tilespmem:s16], [sflag:$0x2] =	stream.indirect_vreg.gather [hbm4b:s6+s3], $0x80, v4, vm0, $0xb8;
	[tilespmem:$0x11000] =	vst v63  }
0xce: {  	_ = 	snop  }
0xcf: {  	[tilespmem:s17], [sflag:$0x2] =	stream.indirect_vreg.gather [hbm4b:s7+s3], $0x80, v4, vm0, $0xb8;
	[tilespmem:$0x11000] =	vst v63  }
0xd0: {  	_ = 	snop  }
0xd1: {  	[tilespmem:s18], [sflag:$0x2] =	stream.indirect_vreg.gather [hbm4b:s1+s3], $0x80, v3, vm0, $0xb8;
	[tilespmem:$0x11000] =	vst v63  }
0xd2: {  	_ = 	snop  }
0xd3: {  	[tilespmem:s19], [sflag:$0x2] =	stream.indirect_vreg.gather [hbm4b:s5+s3], $0x80, v3, vm0, $0xb8;
	[tilespmem:$0x11000] =	vst v63  }
.Ltmp3:
0xd4: {  	_ = 	snop;
	(pc) =	sbr.rel .LBB2_2-.Ltmp3, $4  }
0xd5: {  	_ = 	snop  }
0xd6: {  	[tilespmem:s20], [sflag:$0x2] =	stream.indirect_vreg.gather [hbm4b:s6+s3], $0x80, v3, vm0, $0xb8;
	[tilespmem:$0x11000] =	vst v63  }
0xd7: {  	s8 =	sadd.s32 $0x2000, s8;
	s4 =	sadd.s32 $0x100, s4  }
0xd8: {  	[tilespmem:s21], [sflag:$0x2] =	stream.indirect_vreg.gather [hbm4b:s7+s3], $0x80, v3, vm0, $0xb8;
	[tilespmem:$0x11000] =	vst v63  }
.LBB2_5:
0xd9: {  	_ =	sfence.sel $0x180000  }
0xda: {  	[bflag:$0x0] =	sbarrier.arrive $0xFFFF  }
0xdb: {  	_ =	strace $0x90000047  }
0xdc: {  	s0 =	stileid.u32;
	[bflag:$0x2] =	sbarrier.arrive $0xFFFF  }
0xdd: {  	p0 =	sne.s32 s0, $0x0;
	s0 =	rddreg [dreg:$0x3]  }
0xde: {  	s0 =	sadd.s32 @!p0 $0x100000, s0  }
0xdf: {  	[sflag:s0] =	ssyncadd.tile.s32 @!p0 $0x1;
	_ =	shalt  }
.Lfunc_end2:
_tile_overlayer_lowered:
.L_overlay_start_2:
0xe0: {  	(tag) =	ssettag $0x2  }
0xe1: {  	s0 =	rddreg [dreg:$0x0];
	s2 =	stileid.u32  }
0xe2: {  	s1 =	rddreg [dreg:$0x1];
	p0 =	sne.s32 s2, $0x0  }
0xe3: {  	s3 =	rddreg [dreg:$0x2];
	[bflag:$0x3] =	sbarrier.arrive $0xFFFF;
	s2 =	simm.s32 @!p0 $0x1C05  }
0xe4: {  	[timem:s3], [sflag:s2] =	dma.local @!p0 [hbm:s0], s1  }
0xe5: {  	s0 =	simm.s32 @!p0 $0x5  }
0xe6: {  	_ =	swait.ge @!p0 [sflag:s0], s1  }
0xe7: {  	s1 =	ssub.s32 @!p0 $0x0, s1;
	[sflag:s0] =	ssyncset.done @!p0 $0x0  }
0xe8: {  	[sflag:s0] =	ssyncadd.s32 @!p0 s1  }
0xe9: {  	[bflag:$0x3] =	sbarrier.arrive $0xFFFF  }
0xea: {  	_ =	shalt  }

</sc_bundles>
